<compile_context>
chip_gen: v7x
topology: tpu7x:2x2x1
jax: 0.10.2.dev20260603
libtpu: 0.0.44.dev20260713+nightly
codegen_flags: <defaults>
</compile_context>

<pallas_src>
import functools

import jax
import jax.numpy as jnp
from jax import lax
from jax.experimental import pallas as pl
from jax.experimental.pallas import tpu as pltpu
from jax.experimental.pallas import tpu_sc as plsc

_B, _S, _V = 32, 8192, 100000
_L = 16
_NC, _NS = 2, 16
_UNROLL = 4


def _hist_body(ids_hbm, last_hbm, out_hbm, ids_v, last_v, hist_v, sem_ids,
               sem_last):
    c = lax.axis_index("c")
    s = lax.axis_index("s")
    wid = s * _NC + c

    ids_cp = pltpu.async_copy(ids_hbm.at[wid], ids_v, sem_ids)
    last_cp = pltpu.async_copy(last_hbm, last_v.at[pl.ds(0, _B)], sem_last)

    zeros = jnp.zeros((_L,), jnp.int32)

    def _zero(i, carry):
        hist_v[pl.ds(i * _L, _L)] = zeros
        return carry

    lax.fori_loop(0, _V // _L, _zero, 0, unroll=8)
    last_cp.wait()
    ids_cp.wait()
    last_b = last_v[pl.ds(wid, _L)][0]

    iota = lax.iota(jnp.int32, _L)
    ones = jnp.ones((_L,), jnp.int32)
    n_steps = (last_b + _L * _UNROLL - 1) // (_L * _UNROLL)

    def _scat(i, carry):
        for j in range(_UNROLL):
            base = (i * _UNROLL + j) * _L
            ids16 = ids_v[pl.ds(base, _L)]
            m = (iota + base) < last_b
            plsc.addupdate_scatter(hist_v, [ids16], ones, mask=m)
        return carry

    lax.fori_loop(0, n_steps, _scat, 0)

    pltpu.sync_copy(hist_v, out_hbm.at[wid])


@functools.partial(jax.jit, static_argnames=())
def kernel(input_ids, last_token_index):
    last_flat = last_token_index.reshape(_B).astype(jnp.int32)
    mesh = plsc.VectorSubcoreMesh(
        core_axis_name="c", subcore_axis_name="s",
        num_cores=_NC, num_subcores=_NS,
    )
    run = pl.kernel(
        _hist_body,
        out_type=jax.ShapeDtypeStruct((_B, _V), jnp.int32),
        mesh=mesh,
        compiler_params=pltpu.CompilerParams(needs_layout_passes=False),
        scratch_types=[
            pltpu.VMEM((_S,), jnp.int32),
            pltpu.VMEM((_B + _L,), jnp.int32),
            pltpu.VMEM((_V,), jnp.int32),
            pltpu.SemaphoreType.DMA,
            pltpu.SemaphoreType.DMA,
        ],
    )
    return run(input_ids.astype(jnp.int32), last_flat)

# --- scband reference (transcript-rebuilt; emitter-appended) ---
"""Pipeline reference for scband-postprocess-init-6897717477520 (READ-ONLY COPY).

The authoritative reference and input builder live on the scoring server;
editing this copy changes nothing except your own understanding.
"""

import jax, jax.numpy as jnp
import numpy as np

BATCH_SIZE = 32
VOCAB_SIZE = 100000
SEQ_LEN = 8192


def setup_inputs(seed: int = 0) -> dict:
    key = jax.random.key(seed)
    k1, k2 = jax.random.split(key)
    input_ids = jax.random.randint(k1, (BATCH_SIZE, SEQ_LEN), 0, VOCAB_SIZE, dtype=jnp.int32)
    last_token_index = jax.random.randint(k2, (BATCH_SIZE, 1), 0, SEQ_LEN, dtype=jnp.int32)
    return {"input_ids": input_ids, "last_token_index": last_token_index}


def reference(input_ids, last_token_index):
    B, S = input_ids.shape
    V = VOCAB_SIZE
    # temp[b, s] = s - last_token_index[b]
    temp = (jnp.arange(S, dtype=jnp.int32)[None, :] - last_token_index.astype(jnp.int32)).astype(jnp.int32)
    # attention_mask = 1 where position is a valid (already seen) token, else 0
    attention_mask = jnp.where(temp < 0, jnp.int32(1), jnp.int32(0))
    # used_tokens: valid positions keep token id; invalid positions mapped to sentinel V (out of range)
    used_tokens = jnp.where(attention_mask > 0, input_ids.astype(jnp.int32), jnp.int32(V))
    # scatter-add of 1 into (B, V) count tensor; sentinel index V is out-of-bounds and dropped
    row_idx = jnp.arange(B, dtype=jnp.int32)[:, None]
    token_count = jnp.zeros((B, V), dtype=jnp.int32).at[row_idx, used_tokens].add(jnp.int32(1), mode='drop')
    return token_count

if __name__ == "__main__":
    import jax
    _d = setup_inputs()
    print(jax.jit(kernel)(*tuple(_d.values())))

</pallas_src>

<mosaic_0001>
#map = affine_map<(d0, d1) -> (0, 0)>
#map1 = affine_map<(d0, d1) -> (0)>
module attributes {stable_mosaic.version = 14 : i64} {
  func.func @_hist_body(%arg0: i32, %arg1: i32, %arg2: memref<32x8192xi32, #tpu.memory_space<hbm>>, %arg3: memref<32xi32, #tpu.memory_space<hbm>>, %arg4: memref<32x100000xi32, #tpu.memory_space<hbm>>, %arg5: memref<8192xi32, #tpu.memory_space<vmem>>, %arg6: memref<48xi32, #tpu.memory_space<vmem>>, %arg7: memref<100000xi32, #tpu.memory_space<vmem>>, %arg8: memref<!tpu.dma_semaphore, #tpu.memory_space<semaphore_mem>>, %arg9: memref<!tpu.dma_semaphore, #tpu.memory_space<semaphore_mem>>) attributes {dimension_semantics = [#tpu.dimension_semantics<core_parallel>, #tpu.dimension_semantics<subcore_parallel>], iteration_bounds = array<i64: 2, 16>, scalar_prefetch = 0 : i64, scratch_operands = 5 : i64, tpu.core_type = #tpu.core_type<sc_vector_subcore>, window_params = [{transform_indices = #map}, {transform_indices = #map1}, {transform_indices = #map}]} {
    %mul3A = arith.constant 2 : i32
    %mul3A_0 = arith.muli %arg1, %mul3A : i32
    %add3A = arith.addi %mul3A_0, %arg0 : i32
    %dma_start3A = arith.constant 0 : i32
    %dma_start3A_1 = tpu.memref_slice %arg2[%add3A, %dma_start3A] : memref<32x8192xi32, #tpu.memory_space<hbm>> -> memref<1x8192xi32, #tpu.memory_space<hbm>>
    %dma_start3A_2 = tpu.memref_squeeze %dma_start3A_1 : memref<1x8192xi32, #tpu.memory_space<hbm>> -> memref<8192xi32, #tpu.memory_space<hbm>>
    %dma_start3A_3 = arith.constant 0 : i32
    %dma_start3A_4 = tpu.memref_slice %arg2[%add3A, %dma_start3A_3] : memref<32x8192xi32, #tpu.memory_space<hbm>> -> memref<1x8192xi32, #tpu.memory_space<hbm>>
    %dma_start3A_5 = tpu.memref_squeeze %dma_start3A_4 : memref<1x8192xi32, #tpu.memory_space<hbm>> -> memref<8192xi32, #tpu.memory_space<hbm>>
    tpu.enqueue_dma source(%dma_start3A_5 : memref<8192xi32, #tpu.memory_space<hbm>>) target(%arg5 : memref<8192xi32, #tpu.memory_space<vmem>>) target_semaphore(%arg8 : memref<!tpu.dma_semaphore, #tpu.memory_space<semaphore_mem>>)
    %dma_start3A_6 = arith.constant 0 : i32
    %dma_start3A_7 = tpu.memref_slice %arg6[%dma_start3A_6] : memref<48xi32, #tpu.memory_space<vmem>> -> memref<32xi32, #tpu.memory_space<vmem>>
    %dma_start3A_8 = arith.constant 0 : i32
    %dma_start3A_9 = tpu.memref_slice %arg6[%dma_start3A_8] : memref<48xi32, #tpu.memory_space<vmem>> -> memref<32xi32, #tpu.memory_space<vmem>>
    tpu.enqueue_dma source(%arg3 : memref<32xi32, #tpu.memory_space<hbm>>) target(%dma_start3A_9 : memref<32xi32, #tpu.memory_space<vmem>>) target_semaphore(%arg9 : memref<!tpu.dma_semaphore, #tpu.memory_space<semaphore_mem>>)
    %broadcast_in_dim3A = arith.constant 0 : i32
    %broadcast_in_dim3A_10 = vector.broadcast %broadcast_in_dim3A : i32 to vector<16xi32>
    %scan3A = arith.constant 0 : i32
    %scan3A_11 = arith.constant 0 : i32
    %scan3A_12 = arith.constant 6248 : i32
    %scan3A_13 = arith.addi %scan3A_11, %scan3A_12 : i32
    %scan3A_14 = arith.constant 8 : i32
    scf.for %scan3A_68 = %scan3A_11 to %scan3A_13 step %scan3A_14  : i32 {
      %mul3A_69 = arith.constant 16 : i32
      %mul3A_70 = arith.muli %scan3A_68, %mul3A_69 : i32
      %swap3A_71 = arith.index_cast %mul3A_70 : i32 to index
      %swap3A_72 = tpu.vector_load %arg7[%swap3A_71] {strides = array<i32>} : memref<100000xi32, #tpu.memory_space<vmem>>, vector<16xi32>,
      tpu.vector_store %arg7[%swap3A_71], %broadcast_in_dim3A_10 {strides = array<i32>} : memref<100000xi32, #tpu.memory_space<vmem>>, vector<16xi32>,
      %scan3A_73 = arith.constant 1 : i32
      %scan3A_74 = arith.addi %scan3A_68, %scan3A_73 : i32
      %mul3A_75 = arith.constant 16 : i32
      %mul3A_76 = arith.muli %scan3A_74, %mul3A_75 : i32
      %swap3A_77 = arith.index_cast %mul3A_76 : i32 to index
      %swap3A_78 = tpu.vector_load %arg7[%swap3A_77] {strides = array<i32>} : memref<100000xi32, #tpu.memory_space<vmem>>, vector<16xi32>,
      tpu.vector_store %arg7[%swap3A_77], %broadcast_in_dim3A_10 {strides = array<i32>} : memref<100000xi32, #tpu.memory_space<vmem>>, vector<16xi32>,
      %scan3A_79 = arith.constant 2 : i32
      %scan3A_80 = arith.addi %scan3A_68, %scan3A_79 : i32
      %mul3A_81 = arith.constant 16 : i32
      %mul3A_82 = arith.muli %scan3A_80, %mul3A_81 : i32
      %swap3A_83 = arith.index_cast %mul3A_82 : i32 to index
      %swap3A_84 = tpu.vector_load %arg7[%swap3A_83] {strides = array<i32>} : memref<100000xi32, #tpu.memory_space<vmem>>, vector<16xi32>,
      tpu.vector_store %arg7[%swap3A_83], %broadcast_in_dim3A_10 {strides = array<i32>} : memref<100000xi32, #tpu.memory_space<vmem>>, vector<16xi32>,
      %scan3A_85 = arith.constant 3 : i32
      %scan3A_86 = arith.addi %scan3A_68, %scan3A_85 : i32
      %mul3A_87 = arith.constant 16 : i32
      %mul3A_88 = arith.muli %scan3A_86, %mul3A_87 : i32
      %swap3A_89 = arith.index_cast %mul3A_88 : i32 to index
      %swap3A_90 = tpu.vector_load %arg7[%swap3A_89] {strides = array<i32>} : memref<100000xi32, #tpu.memory_space<vmem>>, vector<16xi32>,
      tpu.vector_store %arg7[%swap3A_89], %broadcast_in_dim3A_10 {strides = array<i32>} : memref<100000xi32, #tpu.memory_space<vmem>>, vector<16xi32>,
      %scan3A_91 = arith.constant 4 : i32
      %scan3A_92 = arith.addi %scan3A_68, %scan3A_91 : i32
      %mul3A_93 = arith.constant 16 : i32
      %mul3A_94 = arith.muli %scan3A_92, %mul3A_93 : i32
      %swap3A_95 = arith.index_cast %mul3A_94 : i32 to index
      %swap3A_96 = tpu.vector_load %arg7[%swap3A_95] {strides = array<i32>} : memref<100000xi32, #tpu.memory_space<vmem>>, vector<16xi32>,
      tpu.vector_store %arg7[%swap3A_95], %broadcast_in_dim3A_10 {strides = array<i32>} : memref<100000xi32, #tpu.memory_space<vmem>>, vector<16xi32>,
      %scan3A_97 = arith.constant 5 : i32
      %scan3A_98 = arith.addi %scan3A_68, %scan3A_97 : i32
      %mul3A_99 = arith.constant 16 : i32
      %mul3A_100 = arith.muli %scan3A_98, %mul3A_99 : i32
      %swap3A_101 = arith.index_cast %mul3A_100 : i32 to index
      %swap3A_102 = tpu.vector_load %arg7[%swap3A_101] {strides = array<i32>} : memref<100000xi32, #tpu.memory_space<vmem>>, vector<16xi32>,
      tpu.vector_store %arg7[%swap3A_101], %broadcast_in_dim3A_10 {strides = array<i32>} : memref<100000xi32, #tpu.memory_space<vmem>>, vector<16xi32>,
      %scan3A_103 = arith.constant 6 : i32
      %scan3A_104 = arith.addi %scan3A_68, %scan3A_103 : i32
      %mul3A_105 = arith.constant 16 : i32
      %mul3A_106 = arith.muli %scan3A_104, %mul3A_105 : i32
      %swap3A_107 = arith.index_cast %mul3A_106 : i32 to index
      %swap3A_108 = tpu.vector_load %arg7[%swap3A_107] {strides = array<i32>} : memref<100000xi32, #tpu.memory_space<vmem>>, vector<16xi32>,
      tpu.vector_store %arg7[%swap3A_107], %broadcast_in_dim3A_10 {strides = array<i32>} : memref<100000xi32, #tpu.memory_space<vmem>>, vector<16xi32>,
      %scan3A_109 = arith.constant 7 : i32
      %scan3A_110 = arith.addi %scan3A_68, %scan3A_109 : i32
      %mul3A_111 = arith.constant 16 : i32
      %mul3A_112 = arith.muli %scan3A_110, %mul3A_111 : i32
      %swap3A_113 = arith.index_cast %mul3A_112 : i32 to index
      %swap3A_114 = tpu.vector_load %arg7[%swap3A_113] {strides = array<i32>} : memref<100000xi32, #tpu.memory_space<vmem>>, vector<16xi32>,
      tpu.vector_store %arg7[%swap3A_113], %broadcast_in_dim3A_10 {strides = array<i32>} : memref<100000xi32, #tpu.memory_space<vmem>>, vector<16xi32>,
    }
    %scan3A_15 = arith.constant 6248 : i32
    %scan3A_16 = arith.addi %scan3A_11, %scan3A_15 : i32
    %mul3A_17 = arith.constant 16 : i32
    %mul3A_18 = arith.muli %scan3A_16, %mul3A_17 : i32
    %swap3A = arith.index_cast %mul3A_18 : i32 to index
    %swap3A_19 = tpu.vector_load %arg7[%swap3A] {strides = array<i32>} : memref<100000xi32, #tpu.memory_space<vmem>>, vector<16xi32>,
    tpu.vector_store %arg7[%swap3A], %broadcast_in_dim3A_10 {strides = array<i32>} : memref<100000xi32, #tpu.memory_space<vmem>>, vector<16xi32>,
    %scan3A_20 = arith.constant 6249 : i32
    %scan3A_21 = arith.addi %scan3A_11, %scan3A_20 : i32
    %mul3A_22 = arith.constant 16 : i32
    %mul3A_23 = arith.muli %scan3A_21, %mul3A_22 : i32
    %swap3A_24 = arith.index_cast %mul3A_23 : i32 to index
    %swap3A_25 = tpu.vector_load %arg7[%swap3A_24] {strides = array<i32>} : memref<100000xi32, #tpu.memory_space<vmem>>, vector<16xi32>,
    tpu.vector_store %arg7[%swap3A_24], %broadcast_in_dim3A_10 {strides = array<i32>} : memref<100000xi32, #tpu.memory_space<vmem>>, vector<16xi32>,
    %scan3A_26 = arith.constant 6250 : i32
    %dma_wait3A = arith.constant 0 : i32
    %dma_wait3A_27 = tpu.memref_slice %arg6[%dma_wait3A] : memref<48xi32, #tpu.memory_space<vmem>> -> memref<32xi32, #tpu.memory_space<vmem>>
    %dma_wait3A_28 = arith.constant 0 : i32
    %dma_wait3A_29 = tpu.memref_slice %arg6[%dma_wait3A_28] : memref<48xi32, #tpu.memory_space<vmem>> -> memref<32xi32, #tpu.memory_space<vmem>>
    tpu.wait_dma2 semaphore(%arg9 : memref<!tpu.dma_semaphore, #tpu.memory_space<semaphore_mem>>) src(%arg3 : memref<32xi32, #tpu.memory_space<hbm>>) dst(%dma_wait3A_29 : memref<32xi32, #tpu.memory_space<vmem>>)
    %dma_wait3A_30 = arith.constant 0 : i32
    %dma_wait3A_31 = tpu.memref_slice %arg2[%add3A, %dma_wait3A_30] : memref<32x8192xi32, #tpu.memory_space<hbm>> -> memref<1x8192xi32, #tpu.memory_space<hbm>>
    %dma_wait3A_32 = tpu.memref_squeeze %dma_wait3A_31 : memref<1x8192xi32, #tpu.memory_space<hbm>> -> memref<8192xi32, #tpu.memory_space<hbm>>
    %dma_wait3A_33 = arith.constant 0 : i32
    %dma_wait3A_34 = tpu.memref_slice %arg2[%add3A, %dma_wait3A_33] : memref<32x8192xi32, #tpu.memory_space<hbm>> -> memref<1x8192xi32, #tpu.memory_space<hbm>>
    %dma_wait3A_35 = tpu.memref_squeeze %dma_wait3A_34 : memref<1x8192xi32, #tpu.memory_space<hbm>> -> memref<8192xi32, #tpu.memory_space<hbm>>
    tpu.wait_dma2 semaphore(%arg8 : memref<!tpu.dma_semaphore, #tpu.memory_space<semaphore_mem>>) src(%dma_wait3A_35 : memref<8192xi32, #tpu.memory_space<hbm>>) dst(%arg5 : memref<8192xi32, #tpu.memory_space<vmem>>)
    %get3A = arith.index_cast %add3A : i32 to index
    %get3A_36 = tpu.vector_load %arg6[%get3A] {strides = array<i32>} : memref<48xi32, #tpu.memory_space<vmem>>, vector<16xi32>,
    %slice3A = vector.extract_strided_slice %get3A_36 {offsets = [0], sizes = [1], strides = [1]} : vector<16xi32> to vector<1xi32>
    %squeeze3A = vector.extract %slice3A[0] : i32 from vector<1xi32>
    %iota3A = tpu.iota {dimensions = array<i32: 0>} : vector<16xi32>
    %broadcast_in_dim3A_37 = arith.constant 1 : i32
    %broadcast_in_dim3A_38 = vector.broadcast %broadcast_in_dim3A_37 : i32 to vector<16xi32>
    %add3A_39 = arith.constant 64 : i32
    %add3A_40 = arith.addi %squeeze3A, %add3A_39 : i32
    %sub3A = arith.constant 1 : i32
    %sub3A_41 = arith.subi %add3A_40, %sub3A : i32
    %jit3A = arith.constant 64 : i32
    %div3A = arith.divsi %sub3A_41, %jit3A : i32
    %sign3A = arith.constant 0 : i32
    %sign3A_42 = arith.cmpi sgt, %sub3A_41, %sign3A : i32
    %sign3A_43 = arith.extui %sign3A_42 : i1 to i32
    %sign3A_44 = arith.constant 0 : i32
    %sign3A_45 = arith.cmpi slt, %sub3A_41, %sign3A_44 : i32
    %sign3A_46 = arith.extui %sign3A_45 : i1 to i32
    %sign3A_47 = arith.subi %sign3A_43, %sign3A_46 : i32
    %sign3A_48 = arith.constant 0 : i32
    %sign3A_49 = arith.cmpi sgt, %jit3A, %sign3A_48 : i32
    %sign3A_50 = arith.extui %sign3A_49 : i1 to i32
    %sign3A_51 = arith.constant 0 : i32
    %sign3A_52 = arith.cmpi slt, %jit3A, %sign3A_51 : i32
    %sign3A_53 = arith.extui %sign3A_52 : i1 to i32
    %sign3A_54 = arith.subi %sign3A_50, %sign3A_53 : i32
    %ne3A = arith.cmpi ne, %sign3A_47, %sign3A_54 : i32
    %rem3A = arith.remsi %sub3A_41, %jit3A : i32
    %ne3A_55 = arith.constant 0 : i32
    %ne3A_56 = arith.cmpi ne, %rem3A, %ne3A_55 : i32
    %and3A = arith.andi %ne3A, %ne3A_56 : i1
    %sub3A_57 = arith.constant 1 : i32
    %sub3A_58 = arith.subi %div3A, %sub3A_57 : i32
    %select_n3A = arith.select %and3A, %sub3A_58, %div3A : i32
    %while3A = arith.constant 0 : i32
    %while3A_59 = arith.constant 0 : i32
    %while3A_60 = arith.subi %select_n3A, %while3A_59 : i32
    %while3A_61 = arith.addi %while3A_59, %while3A_60 : i32
    %while3A_62 = arith.constant 1 : i32
    %while3A_63 = arith.divsi %while3A_60, %while3A_62 : i32
    %while3A_64 = arith.muli %while3A_63, %while3A_62 : i32
    %while3A_65 = arith.addi %while3A_59, %while3A_64 : i32
    %while3A_66 = arith.constant 1 : i32
    scf.for %while3A_68 = %while3A_59 to %while3A_65 step %while3A_66  : i32 {
      %mul3A_69 = arith.constant 4 : i32
      %mul3A_70 = arith.muli %while3A_68, %mul3A_69 : i32
      %add3A_71 = arith.constant 0 : i32
      %add3A_72 = arith.addi %mul3A_70, %add3A_71 : i32
      %mul3A_73 = arith.constant 16 : i32
      %mul3A_74 = arith.muli %add3A_72, %mul3A_73 : i32
      %get3A_75 = arith.index_cast %mul3A_74 : i32 to index
      %get3A_76 = tpu.vector_load %arg5[%get3A_75] {strides = array<i32>} : memref<8192xi32, #tpu.memory_space<vmem>>, vector<16xi32>,
      %add3A_77 = vector.broadcast %mul3A_74 : i32 to vector<16xi32>
      %add3A_78 = arith.addi %iota3A, %add3A_77 : vector<16xi32>
      %lt3A = vector.broadcast %squeeze3A : i32 to vector<16xi32>
      %lt3A_79 = arith.cmpi slt, %add3A_78, %lt3A : vector<16xi32>
      tpu.vector_store_idx %arg7[%get3A_76], %broadcast_in_dim3A_38 masked %lt3A_79 {add = true} : memref<100000xi32, #tpu.memory_space<vmem>>[vector<16xi32>], vector<16xi32>, vector<16xi1>
      %mul3A_80 = arith.constant 4 : i32
      %mul3A_81 = arith.muli %while3A_68, %mul3A_80 : i32
      %add3A_82 = arith.constant 1 : i32
      %add3A_83 = arith.addi %mul3A_81, %add3A_82 : i32
      %mul3A_84 = arith.constant 16 : i32
      %mul3A_85 = arith.muli %add3A_83, %mul3A_84 : i32
      %get3A_86 = arith.index_cast %mul3A_85 : i32 to index
      %get3A_87 = tpu.vector_load %arg5[%get3A_86] {strides = array<i32>} : memref<8192xi32, #tpu.memory_space<vmem>>, vector<16xi32>,
      %add3A_88 = vector.broadcast %mul3A_85 : i32 to vector<16xi32>
      %add3A_89 = arith.addi %iota3A, %add3A_88 : vector<16xi32>
      %lt3A_90 = vector.broadcast %squeeze3A : i32 to vector<16xi32>
      %lt3A_91 = arith.cmpi slt, %add3A_89, %lt3A_90 : vector<16xi32>
      tpu.vector_store_idx %arg7[%get3A_87], %broadcast_in_dim3A_38 masked %lt3A_91 {add = true} : memref<100000xi32, #tpu.memory_space<vmem>>[vector<16xi32>], vector<16xi32>, vector<16xi1>
      %mul3A_92 = arith.constant 4 : i32
      %mul3A_93 = arith.muli %while3A_68, %mul3A_92 : i32
      %add3A_94 = arith.constant 2 : i32
      %add3A_95 = arith.addi %mul3A_93, %add3A_94 : i32
      %mul3A_96 = arith.constant 16 : i32
      %mul3A_97 = arith.muli %add3A_95, %mul3A_96 : i32
      %get3A_98 = arith.index_cast %mul3A_97 : i32 to index
      %get3A_99 = tpu.vector_load %arg5[%get3A_98] {strides = array<i32>} : memref<8192xi32, #tpu.memory_space<vmem>>, vector<16xi32>,
      %add3A_100 = vector.broadcast %mul3A_97 : i32 to vector<16xi32>
      %add3A_101 = arith.addi %iota3A, %add3A_100 : vector<16xi32>
      %lt3A_102 = vector.broadcast %squeeze3A : i32 to vector<16xi32>
      %lt3A_103 = arith.cmpi slt, %add3A_101, %lt3A_102 : vector<16xi32>
      tpu.vector_store_idx %arg7[%get3A_99], %broadcast_in_dim3A_38 masked %lt3A_103 {add = true} : memref<100000xi32, #tpu.memory_space<vmem>>[vector<16xi32>], vector<16xi32>, vector<16xi1>
      %mul3A_104 = arith.constant 4 : i32
      %mul3A_105 = arith.muli %while3A_68, %mul3A_104 : i32
      %add3A_106 = arith.constant 3 : i32
      %add3A_107 = arith.addi %mul3A_105, %add3A_106 : i32
      %mul3A_108 = arith.constant 16 : i32
      %mul3A_109 = arith.muli %add3A_107, %mul3A_108 : i32
      %get3A_110 = arith.index_cast %mul3A_109 : i32 to index
      %get3A_111 = tpu.vector_load %arg5[%get3A_110] {strides = array<i32>} : memref<8192xi32, #tpu.memory_space<vmem>>, vector<16xi32>,
      %add3A_112 = vector.broadcast %mul3A_109 : i32 to vector<16xi32>
      %add3A_113 = arith.addi %iota3A, %add3A_112 : vector<16xi32>
      %lt3A_114 = vector.broadcast %squeeze3A : i32 to vector<16xi32>
      %lt3A_115 = arith.cmpi slt, %add3A_113, %lt3A_114 : vector<16xi32>
      tpu.vector_store_idx %arg7[%get3A_111], %broadcast_in_dim3A_38 masked %lt3A_115 {add = true} : memref<100000xi32, #tpu.memory_space<vmem>>[vector<16xi32>], vector<16xi32>, vector<16xi1>
    }
    %while3A_67 = arith.constant 1 : i32
    scf.for %while3A_68 = %while3A_65 to %while3A_61 step %while3A_67  : i32 {
      %mul3A_69 = arith.constant 4 : i32
      %mul3A_70 = arith.muli %while3A_68, %mul3A_69 : i32
      %add3A_71 = arith.constant 0 : i32
      %add3A_72 = arith.addi %mul3A_70, %add3A_71 : i32
      %mul3A_73 = arith.constant 16 : i32
      %mul3A_74 = arith.muli %add3A_72, %mul3A_73 : i32
      %get3A_75 = arith.index_cast %mul3A_74 : i32 to index
      %get3A_76 = tpu.vector_load %arg5[%get3A_75] {strides = array<i32>} : memref<8192xi32, #tpu.memory_space<vmem>>, vector<16xi32>,
      %add3A_77 = vector.broadcast %mul3A_74 : i32 to vector<16xi32>
      %add3A_78 = arith.addi %iota3A, %add3A_77 : vector<16xi32>
      %lt3A = vector.broadcast %squeeze3A : i32 to vector<16xi32>
      %lt3A_79 = arith.cmpi slt, %add3A_78, %lt3A : vector<16xi32>
      tpu.vector_store_idx %arg7[%get3A_76], %broadcast_in_dim3A_38 masked %lt3A_79 {add = true} : memref<100000xi32, #tpu.memory_space<vmem>>[vector<16xi32>], vector<16xi32>, vector<16xi1>
      %mul3A_80 = arith.constant 4 : i32
      %mul3A_81 = arith.muli %while3A_68, %mul3A_80 : i32
      %add3A_82 = arith.constant 1 : i32
      %add3A_83 = arith.addi %mul3A_81, %add3A_82 : i32
      %mul3A_84 = arith.constant 16 : i32
      %mul3A_85 = arith.muli %add3A_83, %mul3A_84 : i32
      %get3A_86 = arith.index_cast %mul3A_85 : i32 to index
      %get3A_87 = tpu.vector_load %arg5[%get3A_86] {strides = array<i32>} : memref<8192xi32, #tpu.memory_space<vmem>>, vector<16xi32>,
      %add3A_88 = vector.broadcast %mul3A_85 : i32 to vector<16xi32>
      %add3A_89 = arith.addi %iota3A, %add3A_88 : vector<16xi32>
      %lt3A_90 = vector.broadcast %squeeze3A : i32 to vector<16xi32>
      %lt3A_91 = arith.cmpi slt, %add3A_89, %lt3A_90 : vector<16xi32>
      tpu.vector_store_idx %arg7[%get3A_87], %broadcast_in_dim3A_38 masked %lt3A_91 {add = true} : memref<100000xi32, #tpu.memory_space<vmem>>[vector<16xi32>], vector<16xi32>, vector<16xi1>
      %mul3A_92 = arith.constant 4 : i32
      %mul3A_93 = arith.muli %while3A_68, %mul3A_92 : i32
      %add3A_94 = arith.constant 2 : i32
      %add3A_95 = arith.addi %mul3A_93, %add3A_94 : i32
      %mul3A_96 = arith.constant 16 : i32
      %mul3A_97 = arith.muli %add3A_95, %mul3A_96 : i32
      %get3A_98 = arith.index_cast %mul3A_97 : i32 to index
      %get3A_99 = tpu.vector_load %arg5[%get3A_98] {strides = array<i32>} : memref<8192xi32, #tpu.memory_space<vmem>>, vector<16xi32>,
      %add3A_100 = vector.broadcast %mul3A_97 : i32 to vector<16xi32>
      %add3A_101 = arith.addi %iota3A, %add3A_100 : vector<16xi32>
      %lt3A_102 = vector.broadcast %squeeze3A : i32 to vector<16xi32>
      %lt3A_103 = arith.cmpi slt, %add3A_101, %lt3A_102 : vector<16xi32>
      tpu.vector_store_idx %arg7[%get3A_99], %broadcast_in_dim3A_38 masked %lt3A_103 {add = true} : memref<100000xi32, #tpu.memory_space<vmem>>[vector<16xi32>], vector<16xi32>, vector<16xi1>
      %mul3A_104 = arith.constant 4 : i32
      %mul3A_105 = arith.muli %while3A_68, %mul3A_104 : i32
      %add3A_106 = arith.constant 3 : i32
      %add3A_107 = arith.addi %mul3A_105, %add3A_106 : i32
      %mul3A_108 = arith.constant 16 : i32
      %mul3A_109 = arith.muli %add3A_107, %mul3A_108 : i32
      %get3A_110 = arith.index_cast %mul3A_109 : i32 to index
      %get3A_111 = tpu.vector_load %arg5[%get3A_110] {strides = array<i32>} : memref<8192xi32, #tpu.memory_space<vmem>>, vector<16xi32>,
      %add3A_112 = vector.broadcast %mul3A_109 : i32 to vector<16xi32>
      %add3A_113 = arith.addi %iota3A, %add3A_112 : vector<16xi32>
      %lt3A_114 = vector.broadcast %squeeze3A : i32 to vector<16xi32>
      %lt3A_115 = arith.cmpi slt, %add3A_113, %lt3A_114 : vector<16xi32>
      tpu.vector_store_idx %arg7[%get3A_111], %broadcast_in_dim3A_38 masked %lt3A_115 {add = true} : memref<100000xi32, #tpu.memory_space<vmem>>[vector<16xi32>], vector<16xi32>, vector<16xi1>
    }
    "tpu.region"() ({
      %run_scoped3A = tpu.sem_alloc : memref<!tpu.dma_semaphore, #tpu.memory_space<semaphore_mem>>
      %dma_start3A_68 = arith.constant 0 : i32
      %dma_start3A_69 = tpu.memref_slice %arg4[%add3A, %dma_start3A_68] : memref<32x100000xi32, #tpu.memory_space<hbm>> -> memref<1x100000xi32, #tpu.memory_space<hbm>>
      %dma_start3A_70 = tpu.memref_squeeze %dma_start3A_69 : memref<1x100000xi32, #tpu.memory_space<hbm>> -> memref<100000xi32, #tpu.memory_space<hbm>>
      %dma_start3A_71 = arith.constant 0 : i32
      %dma_start3A_72 = tpu.memref_slice %arg4[%add3A, %dma_start3A_71] : memref<32x100000xi32, #tpu.memory_space<hbm>> -> memref<1x100000xi32, #tpu.memory_space<hbm>>
      %dma_start3A_73 = tpu.memref_squeeze %dma_start3A_72 : memref<1x100000xi32, #tpu.memory_space<hbm>> -> memref<100000xi32, #tpu.memory_space<hbm>>
      tpu.enqueue_dma source(%arg7 : memref<100000xi32, #tpu.memory_space<vmem>>) target(%dma_start3A_73 : memref<100000xi32, #tpu.memory_space<hbm>>) target_semaphore(%run_scoped3A : memref<!tpu.dma_semaphore, #tpu.memory_space<semaphore_mem>>)
      %dma_wait3A_74 = arith.constant 0 : i32
      %dma_wait3A_75 = tpu.memref_slice %arg4[%add3A, %dma_wait3A_74] : memref<32x100000xi32, #tpu.memory_space<hbm>> -> memref<1x100000xi32, #tpu.memory_space<hbm>>
      %dma_wait3A_76 = tpu.memref_squeeze %dma_wait3A_75 : memref<1x100000xi32, #tpu.memory_space<hbm>> -> memref<100000xi32, #tpu.memory_space<hbm>>
      %dma_wait3A_77 = arith.constant 0 : i32
      %dma_wait3A_78 = tpu.memref_slice %arg4[%add3A, %dma_wait3A_77] : memref<32x100000xi32, #tpu.memory_space<hbm>> -> memref<1x100000xi32, #tpu.memory_space<hbm>>
      %dma_wait3A_79 = tpu.memref_squeeze %dma_wait3A_78 : memref<1x100000xi32, #tpu.memory_space<hbm>> -> memref<100000xi32, #tpu.memory_space<hbm>>
      tpu.wait_dma2 semaphore(%run_scoped3A : memref<!tpu.dma_semaphore, #tpu.memory_space<semaphore_mem>>) src(%arg7 : memref<100000xi32, #tpu.memory_space<vmem>>) dst(%dma_wait3A_79 : memref<100000xi32, #tpu.memory_space<hbm>>)
      tpu.yield
    }) : () -> ()
    return
  }
}

</mosaic_0001>

<sc_bundles>
// kernel: kernel.3.cloned.1.call-start
scs
__scs_entry_jumppad:
0x0: {  	(pc) =	sbr.rel $0x88, $3  }
0x1: {  	(tag) =	ssettag $0x0;
	lr =	simm.s32 $0x1  }
0x2: {  	[smem:$0x3F9F] =	sst lr;
	_ =	strace $0xD0000000  }
0x3: {  	_ = 	snop  }
0x4: {  	_ = 	snop  }
0x5: {  	_ = 	snop  }
0x6: {  	_ = 	snop  }
0x7: {  	_ = 	snop  }
__scs_overlays_trampoline_lowered:
0x8: {  	[smem:$0x3FAE] =	sst s0  }
0x9: {  	[smem:$0x3FAF] =	sst s1  }
0xa: {  	[smem:$0x3FB0] =	sst s2  }
0xb: {  	[smem:$0x3FB1] =	sst s3  }
0xc: {  	[smem:$0x3FB2] =	sst s4  }
0xd: {  	[smem:$0x3FB3] =	sst s5  }
0xe: {  	[smem:$0x3FB4] =	sst s6  }
0xf: {  	[smem:$0x3FB5] =	sst s7  }
0x10: {  	[smem:$0x3FB6] =	sst s8  }
0x11: {  	[smem:$0x3FB7] =	sst s9;
	s0 =	simm.s32 @!p0 $0x0  }
0x12: {  	s1 =	sld [smem:$0x3F9D];
	s0 =	simm.s32 @p0 $0x1  }
0x13: {  	[smem:$0x3FB8] =	sst s0;
	s0 =	simm.s32 @!p1 $0x0  }
0x14: {  	s2 =	sld [smem:$0x3F9C];
	s0 =	simm.s32 @p1 $0x1  }
0x15: {  	[smem:$0x3FB9] =	sst s0;
	s0 =	simm.s32 @!p2 $0x0  }
0x16: {  	s3 =	sld [smem:$0x3FDB];
	s0 =	simm.s32 @p2 $0x1  }
0x17: {  	s4 =	simm.s32 $0x1BF5;
	[smem:$0x3FBB] =	sst s0  }
0x18: {  	s0 =	sld [smem:$0x3F9E];
	_ =	swait.ge [sflag:s4], $0x0  }
0x19: {  	s7 =	sld [smem:$0x3F9F]  }
0x1a: {  	s8 =	sadd.s32 $0xFFFFE003, lr  }
0x1b: {  	s9 =	sadd.s32 $0xFFFFFEF7, lr;
	s5 =	simm.s32 $0xFFFFFFFF;
	p2 =	slt.u32 s8, $0xFFFFF086  }
0x1c: {  	p1 =	slt.u32 s9, $0xF7A;
	s5 =	simm.s32 @!p2 $0x0  }
0x1d: {  	s5 =	simm.s32 @p1 $0x1;
	p0 =	seq.s32 s7, s2  }
0x1e: {  	s7 =	smul.u32 @!p0 $0xF7A, s2;
	p2 =	seq.s32 @!p0 s5, $0x0  }
0x1f: {  	s9 =	smul.u32 $0xF7A, s1;
	s8 =	simm.s32 @!p0 $0x1BF5;
	p2 =	por !p2, p0  }
0x20: {  	[sflag:s8] =	ssyncset.s32 @!p0 $0xFFFFF086;
	s6 =	sadd.s32 @!p0 s3, s7;
	s7 =	simm.s32 @!p0 $0x108  }
0x21: {  	s3 =	sadd.s32 s3, s9;
	s6 =	sadd.s32 @!p0 $0x88, s6;
	s7 =	simm.s32 @p2 $0x1082  }
0x22: {  	[simem:s7], [sflag:s8] =	dma.local @!p0 [hbm:s6], $0xF7A  }
0x23: {  	s9 =	sor.u32 $0xD0000000, s2;
	s6 =	simm.s32 $0x108;
	_ =	swait.ge @!p0 [sflag:s8], $0x0  }
0x24: {  	s3 =	sadd.s32 $0x88, s3;
	s6 =	simm.s32 @!p1 $0x1082;
	[sflag:s4] =	ssyncset.s32 $0xFFFFF086  }
0x25: {  	[simem:s6], [sflag:s4] =	dma.local [hbm:s3], $0xF7A  }
0x26: {  	[smem:$0x3F9F] =	sst s1;
	(tag) =	ssettag s2;
	_ =	strace s9  }
0x27: {  	s1 =	sld [smem:$0x3FAF]  }
0x28: {  	s2 =	sld [smem:$0x3FB0]  }
0x29: {  	s4 =	sld [smem:$0x3FB2]  }
0x2a: {  	p0 =	seq.s32 s5, $0x0;
	s5 =	sld [smem:$0x3FB3]  }
0x2b: {  	s6 =	sld [smem:$0x3FB4]  }
0x2c: {  	s7 =	sld [smem:$0x3FB5]  }
0x2d: {  	s3 =	simm.s32 $0x108;
	s8 =	sld [smem:$0x3FB6]  }
0x2e: {  	s3 =	simm.s32 @!p0 $0x1082;
	s9 =	sld [smem:$0x3FB7]  }
0x2f: {  	lr =	sadd.s32 s0, s3;
	s0 =	sld [smem:$0x3FAE]  }
0x30: {  	s3 =	sld [smem:$0x3FB1]  }
0x31: {  	[smem:$0x3FBA] =	sst s10  }
0x32: {  	s10 =	sld [smem:$0x3FB8];
	_ =	sdelay $0x3  }
0x33: {  	p0 =	seq.s32 s10, $0x1;
	s10 =	sld [smem:$0x3FBA];
	_ =	sdelay $0x3  }
0x34: {  	[smem:$0x3FBA] =	sst s10  }
0x35: {  	s10 =	sld [smem:$0x3FB9];
	_ =	sdelay $0x3  }
0x36: {  	p1 =	seq.s32 s10, $0x1;
	s10 =	sld [smem:$0x3FBA];
	_ =	sdelay $0x3  }
0x37: {  	[smem:$0x3FBA] =	sst s10  }
0x38: {  	s10 =	sld [smem:$0x3FBB]  }
0x39: {  	_ = 	snop;
	(pc) =	sbr.ind lr, $3  }
0x3a: {  	_ = 	snop  }
0x3b: {  	_ = 	snop  }
0x3c: {  	p2 =	seq.s32 s10, $0x1;
	s10 =	sld [smem:$0x3FBA]  }
0x3d: {  	_ =	shalt  }
0x3e: {  	_ =	shalt  }
0x3f: {  	_ =	shalt  }
0x40: {  	_ =	shalt  }
0x41: {  	_ =	shalt  }
0x42: {  	_ =	shalt  }
0x43: {  	_ =	shalt  }
0x44: {  	_ =	shalt  }
0x45: {  	_ =	shalt  }
0x46: {  	_ =	shalt  }
0x47: {  	_ =	shalt  }
0x48: {  	_ =	shalt  }
0x49: {  	_ =	shalt  }
0x4a: {  	_ =	shalt  }
0x4b: {  	_ =	shalt  }
0x4c: {  	_ =	shalt  }
0x4d: {  	_ =	shalt  }
0x4e: {  	_ =	shalt  }
0x4f: {  	_ =	shalt  }
0x50: {  	_ =	shalt  }
0x51: {  	_ =	shalt  }
0x52: {  	_ =	shalt  }
0x53: {  	_ =	shalt  }
0x54: {  	_ =	shalt  }
0x55: {  	_ =	shalt  }
0x56: {  	_ =	shalt  }
0x57: {  	_ =	shalt  }
0x58: {  	_ =	shalt  }
0x59: {  	_ =	shalt  }
0x5a: {  	_ =	shalt  }
0x5b: {  	_ =	shalt  }
0x5c: {  	_ =	shalt  }
0x5d: {  	_ =	shalt  }
0x5e: {  	_ =	shalt  }
0x5f: {  	_ =	shalt  }
0x60: {  	_ =	shalt  }
0x61: {  	_ =	shalt  }
0x62: {  	_ =	shalt  }
0x63: {  	_ =	shalt  }
0x64: {  	_ =	shalt  }
0x65: {  	_ =	shalt  }
0x66: {  	_ =	shalt  }
0x67: {  	_ =	shalt  }
0x68: {  	_ =	shalt  }
0x69: {  	_ =	shalt  }
0x6a: {  	_ =	shalt  }
0x6b: {  	_ =	shalt  }
0x6c: {  	_ =	shalt  }
0x6d: {  	_ =	shalt  }
0x6e: {  	_ =	shalt  }
0x6f: {  	_ =	shalt  }
0x70: {  	_ =	shalt  }
0x71: {  	_ =	shalt  }
0x72: {  	_ =	shalt  }
0x73: {  	_ =	shalt  }
0x74: {  	_ =	shalt  }
0x75: {  	_ =	shalt  }
0x76: {  	_ =	shalt  }
0x77: {  	_ =	shalt  }
0x78: {  	_ =	shalt  }
0x79: {  	_ =	shalt  }
0x7a: {  	_ =	shalt  }
0x7b: {  	_ =	shalt  }
0x7c: {  	_ =	shalt  }
0x7d: {  	_ =	shalt  }
0x7e: {  	_ =	shalt  }
0x7f: {  	_ =	shalt  }
0x80: {  	_ =	shalt  }
0x81: {  	_ =	shalt  }
0x82: {  	_ =	shalt  }
0x83: {  	_ =	shalt  }
0x84: {  	_ =	shalt  }
0x85: {  	_ =	shalt  }
0x86: {  	_ =	shalt  }
0x87: {  	_ =	shalt  }
.Lfunc_end0:
.L_simem_size_0:
called_computation_lowered:
.L_overlay_start_0:
0x88: {  	s2 =	sld [smem:$0x3FD9]  }
0x89: {  	s3 =	sld [smem:$0x3FFE];
	_ =	sdelay $0x1  }
0x8a: {  	s1 =	srdreg.scid  }
0x8b: {  	s0 =	sand.u32 $0x1, s1  }
0x8c: {  	s18 =	sshll.u32 s0, $0xA;
	s2 =	sadd.s32 s3, s2  }
0x8d: {  	s2 =	sadd.s32 s2, s18  }
0x8e: {  	[smem:$0x3FC6] =	sst s2  }
0x8f: {  	_ = 	snop  }
0x90: {  	s2 =	sld [smem:$0x3FC9]  }
0x91: {  	s19 =	sld [smem:$0x3FC8]  }
0x92: {  	s4 =	sld [smem:$0x3FD0];
	(tm) =	ssettm $0x1  }
0x93: {  	s5 =	sld [smem:$0x3FFB];
	_ =	sdelay $0x3  }
0x94: {  	_ =	strace s5  }
0x95: {  	s5 =	sld [smem:$0x3FFC];
	_ =	sdelay $0x3  }
0x96: {  	_ =	strace s5  }
0x97: {  	s5 =	sld [smem:$0x3FFD];
	_ =	sdelay $0x3  }
0x98: {  	_ =	strace s5  }
0x99: {  	_ =	strace $0x8FFFFFFF  }
0x9a: {  	s20 =	sld [smem:$0x3FDB];
	_ =	sdelay $0x1  }
0x9b: {  	s6 =	simm.s32 $_scs_section_size  }
0x9c: {  	s7 =	simm.s32 $_size__tile_overlayer_lowered;
	s8 =	simm.s32 $_tile_overlayer_lowered  }
0x9d: {  	s23 =	simm.s32 $0x1BFF;
	s22 =	sshll.u32 s8, $0x1;
	s5 =	sadd.s32 s6, s20  }
0x9e: {  	s9 =	simm.s32 $0x0;
	s21 =	sshll.u32 s7, $0x1;
	s7 =	sadd.s32 s22, s5  }
0x9f: {  	[timem:s9], [sflag:s23] =	dma.local [hbm:s7], s21  }
0xa0: {  	_ =	swait.ge [sflag:s23], s21  }
0xa1: {  	s6 =	ssub.s32 $0x0, s21;
	[sflag:s23] =	ssyncset.done $0x0  }
0xa2: {  	[sflag:s23] =	ssyncadd.s32 s6;
	_ =	sdelay $0x1  }
0xa3: {  	s24 =	simm.s32 $0x1B8B  }
0xa4: {  	_ =	swait.ge [sflag:s24], $0x1  }
0xa5: {  	[sflag:s24] =	ssyncset.done $0x0  }
0xa6: {  	s25 =	simm.s32 $0x1B8E;
	[sflag:s24] =	ssyncadd.s32 $0xFFFFFFFF  }
0xa7: {  	s26 =	simm.s32 $execute0_lowered;
	[smem:$0x3FD2] =	sst s25  }
0xa8: {  	s6 =	sshll.u32 s26, $0x1;
	_ =	strace $0x80000046;
	[dreg:$0x1] =	wrdreg $0xFFFFFFFF  }
0xa9: {  	s28 =	simm.s32 $_size_execute0_lowered;
	s5 =	sadd.s32 s5, s6;
	[dreg:$0x0] =	wrdreg $0x0  }
0xaa: {  	s6 =	sshll.u32 s28, $0x1;
	[dreg:$0x2] =	wrdreg s5  }
0xab: {  	[dreg:$0x3] =	wrdreg s6  }
0xac: {  	[dreg:$0x4] =	wrdreg $0xC0  }
0xad: {  	_ =	task [dreg:s9], $0x5FFFF  }
0xae: {  	[dreg:$0x1] =	wrdreg $0xFFFFFFFF  }
0xaf: {  	[dreg:$0x0] =	wrdreg $0x60  }
0xb0: {  	[dreg:$0x2] =	wrdreg s2  }
0xb1: {  	[dreg:$0x3] =	wrdreg s19  }
0xb2: {  	[dreg:$0x4] =	wrdreg s4  }
0xb3: {  	[dreg:$0x5] =	wrdreg $0x9  }
0xb4: {  	_ =	task.clear_ibuf [dreg:s9], $0x6FFFF;
	_ =	strace $0x90000046  }
0xb5: {  	s29 =	simm.s32 $0x9;
	_ =	strace $0x80000048  }
0xb6: {  	_ =	swait.ge [sflag:s29], $0x1  }
0xb7: {  	[sflag:s29] =	ssyncadd.s32 $0xFFFFFFFF  }
0xb8: {  	_ =	strace $0x90000048  }
0xb9: {  	_ =	sfence  }
0xba: {  	s30 =	sld [smem:$0x0];
	_ =	sdelay $0x2  }
0xbb: {  	s31 =	sshll.u32 s1, $0xD;
	s1 =	sshrl.u32 s1, $0x2  }
0xbc: {  	s3 =	sand.u32 $0x4000, s31;
	s1 =	sadd.s32 s1, s30  }
0xbd: {  	s0 =	sor.u32 s3, s0;
	s1 =	sshll.u32 s1, $0x11  }
0xbe: {  	s0 =	sor.u32 s1, s0  }
0xbf: {  	s0 =	sadd.s32 $0x8F2B, s0  }
0xc0: {  	[sflag:s0] =	ssyncadd.remote.s32 $0x1  }
0xc1: {  	_ =	sfence.sel $0xFFFF  }
0xc2: {  	[dreg:$0x0] =	wrdreg $0xFFFFFFFF;
	(pc) =	sbr.abs _section_cstart, $3  }
0xc3: {  	[dreg:$0x1] =	wrdreg $0xFFFFFFFF  }
0xc4: {  	_ =	task.clear_ibuf [dreg:s9], $0x2FFFF;
	_ =	strace $0x9FFFFFFF  }
0xc5: {  	(tm) =	ssettm $0x7FFFFFFF  }
tec
execute0_lowered:
.L_overlay_start_1:
0x0: {  	(tag) =	ssettag $0x1  }
0x1: {  	s5 =	rddreg [dreg:$0x0]  }
0x2: {  	s2 =	rddreg [dreg:$0x1]  }
0x3: {  	s6 =	rddreg [dreg:$0x2];
	s3 =	srdreg.scid  }
0x4: {  	s1 =	stileid.u32;
	s0 =	rddreg [dreg:$0x3]  }
0x5: {  	s11 =	simm.s32 $0x2;
	s12 =	simm.s32 $0x1;
	s13 =	simm.s32 $0x2080  }
0x6: {  	s14 =	simm.s32 $0x3;
	s15 =	simm.s32 $0x0;
	s7 =	sand.u32 $0x1, s3  }
0x7: {  	s4 =	sshll.u32 s1, $0x1;
	s3 =	simm.s32 $0x0;
	s8 =	sshrl.u32 s1, $0x2  }
0x8: {  	s4 =	sor.u32 s7, s4;
	[smem:$0x7FF] =	sst s3;
	s10 =	smul.u32 $0xC3800, s8  }
0x9: {  	s8 =	sshll.u32 s8, $0x10;
	s7 =	ssub.s32 $0x2, s7;
	s9 =	sshll.u32 s4, $0x7  }
.Ltmp0:
0xa: {  	s31 =	sshrl.u32 s7, $0x1;
	s9 =	sand.u32 $0x380, s9;
	(pc) =	sbr.rel .LBB2_1-.Ltmp0, $4  }
0xb: {  	_ =	strace $0x80000047;
	s7 =	ssub.s32 s7, s31;
	s8 =	sor.u32 s8, s9  }
0xc: {  	s9 =	sor.u32 s10, s9;
	s7 =	smax.u32 s7, $0x1;
	s8 =	sshrl.u32 s8, $0x3  }
0xd: {  	s10 =	simm.s32 $0x2000;
	s9 =	sshrl.u32 s9, $0x3;
	s5 =	sadd.s32 s5, s8  }
0xe: {  	v0 =	vimm.s32 $0x0;
	v1 =	vlaneseq.u32;
	v2 =	vimm.s32 $0x1;
	s6 =	sadd.s32 s6, s9;
	s8 =	simm.s32 $0x80;
	s9 =	simm.s32 $0x400  }
.LBB2_6:
0xf: {  	s15 =	sadd.s32 $0x1, s15  }
0x10: {  	p0 =	sne.s32 s15, s7  }
.Ltmp1:
0x11: {  	_ = 	snop;
	(pc) =	sbr.rel @!p0 .LBB2_7-.Ltmp1, $4  }
0x12: {  	[hbm4b:s6+s8] =	stream.strided.scatter [tilespmem:s13], [sflag:$0x3], $0x18700, s9, s8, $0x38;
	[tilespmem:$0x1A780] =	vst v63  }
0x13: {  	_ =	swait.ge [sflag:s14], $0x18700  }
0x14: {  	[sflag:s14] =	ssyncset.done $0x0  }
0x15: {  	[sflag:s14] =	ssyncadd.s32 $0xFFFE7900  }
.LBB2_1:
0x16: {  	[tilespmem:s3], [sflag:$0x1] =	stream.strided.gather [hbm4b:s5+s8], $0x2000, s9, s8, $0x38;
	[tilespmem:$0x1A780] =	vst v63  }
0x17: {  	s16 =	simm.s32 $0x20C0  }
0x18: {  	[tilespmem:s10], [sflag:$0x2] =	stream.linear.gather [hbm4b:s2+s3], $0x20, $0x38;
	[tilespmem:$0x1A780] =	vst v63  }
0x19: {  	[tilespmem:s16+$0xFFFFFFC0] =	vst v0  }
0x1a: {  	[tilespmem:s16+$0x30] =	vst v0  }
0x1b: {  	[tilespmem:s16+$0x20] =	vst v0  }
0x1c: {  	[tilespmem:s16+$0x10] =	vst v0  }
0x1d: {  	[tilespmem:s16+$0x0] =	vst v0  }
0x1e: {  	[tilespmem:s16+$0xFFFFFFF0] =	vst v0  }
0x1f: {  	s17 =	simm.s32 $0x0;
	[tilespmem:s16+$0xFFFFFFE0] =	vst v0  }
.LBB2_2:
0x20: {  	s17 =	sadd.s32 $0x8, s17;
	[tilespmem:s16+$0xFFFFFFD0] =	vst v0;
	s16 =	sadd.s32 $0x80, s16  }
0x21: {  	[tilespmem:s16+$0xFFFFFFC0] =	vst v0;
	p0 =	slt.u32 s17, $0x1860  }
0x22: {  	[tilespmem:s16+$0x30] =	vst v0  }
.Ltmp2:
0x23: {  	[tilespmem:s16+$0x20] =	vst v0;
	(pc) =	sbr.rel @p0 .LBB2_2-.Ltmp2, $4  }
0x24: {  	[tilespmem:s16+$0x10] =	vst v0  }
0x25: {  	[tilespmem:s16+$0x0] =	vst v0  }
0x26: {  	[tilespmem:s16+$0xFFFFFFF0] =	vst v0  }
0x27: {  	[tilespmem:s16+$0xFFFFFFE0] =	vst v0  }
0x28: {  	[tilespmem:s16+$0xFFFFFFD0] =	vst v0  }
0x29: {  	[tilespmem:$0x1A700] =	vst v0  }
0x2a: {  	[tilespmem:$0x1A710] =	vst v0  }
0x2b: {  	_ =	swait.ge [sflag:s11], $0x20  }
0x2c: {  	[sflag:s11] =	ssyncset.done $0x0  }
0x2d: {  	[sflag:s11] =	ssyncadd.s32 $0xFFFFFFE0  }
0x2e: {  	_ =	swait.ge [sflag:s12], $0x2000  }
0x2f: {  	[sflag:s12] =	ssyncset.done $0x0  }
0x30: {  	[sflag:s12] =	ssyncadd.s32 $0xFFFFE000  }
0x31: {  	v3 =	vld [tilespmem:s4+$0x2000];
	_ =	sdelay $0x4  }
0x32: {  	(v2sf) =	vpush v3, $0x0;
	_ =	sdelay $0xe  }
0x33: {  	s30 =	spop (v2sf)  }
0x34: {  	s16 =	sadd.s32 $0x3F, s30  }
0x35: {  	s17 =	sand.u32 $0x3F, s16  }
0x36: {  	s31 =	sshra.s32 s16, $0x1F;
	p1 =	slt.s32 s16, $0x1;
	p0 =	sne.s32 s17, $0x0  }
0x37: {  	s17 =	sshrl.u32 s31, $0x1A;
	p0 =	por !p1, !p0  }
0x38: {  	s16 =	sadd.s32 s17, s16;
	s17 =	simm.s32 $0x1;
	p0 =	por !p0, !p0  }
0x39: {  	s16 =	sshra.s32 s16, $0x6;
	s17 =	simm.s32 @!p0 $0x0  }
0x3a: {  	s16 =	ssub.s32 s16, s17  }
0x3b: {  	p0 =	slt.s32 s16, $0x1  }
.Ltmp3:
0x3c: {  	_ = 	snop;
	(pc) =	sbr.rel @p0 .LBB2_6-.Ltmp3, $1  }
0x3d: {  	_ =	sdelay $0x3  }
0x3e: {  	v3 =	vbroadcast v3, $0x0;
	s17 =	simm.s32 $0x0;
	s18 =	simm.s32 $0x20  }
.LBB2_5:
0x3f: {  	v4 =	vld [tilespmem:s18+$0xFFFFFFE0]  }
0x40: {  	v5 =	vor.u32 s17, v1  }
0x41: {  	vm0 =	vlt.s32 v5, v3;
	_ =	sdelay $0x5  }
0x42: {  	[tilespmem:v4+s13+$0x0] =	vst.idx.add.s32.msk vm0, v2  }
0x43: {  	s19 =	sadd.s32 $0x10, s17;
	v4 =	vld [tilespmem:s18+$0xFFFFFFF0]  }
0x44: {  	v5 =	vor.u32 s19, v1  }
0x45: {  	vm13 =	vlt.s32 v5, v3;
	_ =	sdelay $0x5  }
0x46: {  	[tilespmem:v4+s13+$0x0] =	vst.idx.add.s32.msk vm13, v2  }
0x47: {  	s30 =	sadd.s32 $0x20, s17;
	v4 =	vld [tilespmem:s18+$0x0]  }
0x48: {  	v5 =	vor.u32 s30, v1  }
0x49: {  	vm14 =	vlt.s32 v5, v3;
	_ =	sdelay $0x5  }
0x4a: {  	[tilespmem:v4+s13+$0x0] =	vst.idx.add.s32.msk vm14, v2  }
0x4b: {  	s31 =	sadd.s32 $0x30, s17;
	v4 =	vld [tilespmem:s18+$0x10]  }
0x4c: {  	v5 =	vor.u32 s31, v1  }
0x4d: {  	vm15 =	vlt.s32 v5, v3  }
0x4e: {  	p0 =	sne.s32 s16, $0x1  }
.Ltmp4:
0x4f: {  	_ = 	snop;
	(pc) =	sbr.rel @p0 .LBB2_5-.Ltmp4, $2  }
0x50: {  	_ =	sdelay $0x2  }
0x51: {  	s17 =	sadd.s32 $0x40, s17;
	s16 =	sadd.s32 $0xFFFFFFFF, s16;
	s18 =	sadd.s32 $0x40, s18;
	[tilespmem:v4+s13+$0x0] =	vst.idx.add.s32.msk vm15, v2  }
.Ltmp5:
0x52: {  	_ = 	snop;
	(pc) =	sbr.rel .LBB2_6-.Ltmp5, $1  }
0x53: {  	_ =	sdelay $0x3  }
.LBB2_7:
0x54: {  	_ =	sfence.sel $0x180000  }
0x55: {  	[bflag:$0x0] =	sbarrier.arrive $0xFFFF  }
0x56: {  	p0 =	sne.s32 s1, $0x0;
	_ =	strace $0x90000047  }
0x57: {  	s0 =	sadd.s32 @!p0 $0x100000, s0;
	[bflag:$0x2] =	sbarrier.arrive $0xFFFF  }
0x58: {  	[sflag:s0] =	ssyncadd.tile.s32 @!p0 $0x1;
	_ =	shalt  }
.Lfunc_end2:
_tile_overlayer_lowered:
.L_overlay_start_2:
0x59: {  	(tag) =	ssettag $0x2  }
0x5a: {  	s0 =	rddreg [dreg:$0x0];
	s2 =	stileid.u32  }
0x5b: {  	s1 =	rddreg [dreg:$0x1];
	p0 =	sne.s32 s2, $0x0  }
0x5c: {  	s3 =	rddreg [dreg:$0x2];
	[bflag:$0x3] =	sbarrier.arrive $0xFFFF;
	s2 =	simm.s32 @!p0 $0x1C03  }
0x5d: {  	[timem:s3], [sflag:s2] =	dma.local @!p0 [hbm:s0], s1  }
0x5e: {  	s0 =	simm.s32 @!p0 $0x3  }
0x5f: {  	_ =	swait.ge @!p0 [sflag:s0], s1  }
0x60: {  	s1 =	ssub.s32 @!p0 $0x0, s1;
	[sflag:s0] =	ssyncset.done @!p0 $0x0  }
0x61: {  	[sflag:s0] =	ssyncadd.s32 @!p0 s1  }
0x62: {  	[bflag:$0x3] =	sbarrier.arrive $0xFFFF  }
0x63: {  	_ =	shalt  }

</sc_bundles>
